<compile_context>
chip_gen: v7x
topology: tpu7x:2x2x1
jax: 0.10.2.dev20260603
libtpu: 0.0.44.dev20260713+nightly
codegen_flags: <defaults>
</compile_context>

<pallas_src>
import functools

import jax
import jax.numpy as jnp
from jax import lax
from jax.experimental import pallas as pl
from jax.experimental.pallas import tpu as pltpu
from jax.experimental.pallas import tpu_sc as plsc

B = 16
N = 2048
C = 512
NWIN = 16
W = 16
STRIDE = 128
L = 16
NC = 2
NS = 16
NW = NC * NS
NPAIR = B * NWIN

SC_SHARE = 32
TC_SHARE = NPAIR - SC_SHARE
PPW = SC_SHARE // NW


def _sc_body(x_hbm, out_hbm, rows_v, acc_v, sem):
    wid = lax.axis_index("s") * NC + lax.axis_index("c")
    base = wid * PPW

    def row_start(k):
        p = base + k
        b = p // NWIN
        i = p - b * NWIN
        return b * N + i * STRIDE

    def fire(k):
        pltpu.async_copy(
            x_hbm.at[pl.ds(row_start(k), W)],
            rows_v.at[lax.rem(k, 2)],
            sem,
        )

    fire(0)

    def pair_body(k, carry):
        @pl.when(k + 1 < PPW)
        def _():
            fire(k + 1)

        buf = lax.rem(k, 2)
        pltpu.make_async_copy(
            x_hbm.at[pl.ds(0, W)], rows_v.at[buf], sem
        ).wait()

        def chunk(c, cr):
            off = c * L
            vals = [rows_v[buf, r, pl.ds(off, L)] for r in range(W)]
            while len(vals) > 1:
                nxt = [vals[i] + vals[i + 1] for i in range(0, len(vals) - 1, 2)]
                if len(vals) % 2:
                    nxt.append(vals[-1])
                vals = nxt
            acc_v[k, pl.ds(off, L)] = vals[0] * (1.0 / W)
            return cr

        lax.fori_loop(0, C // L, chunk, 0)
        return carry

    lax.fori_loop(0, PPW, pair_body, 0)
    pltpu.sync_copy(acc_v, out_hbm.at[pl.ds(base, PPW)])


def _tc_body(x_ref, o_ref):
    o_ref[...] = jnp.mean(x_ref[...], axis=2)


def kernel(x):
    x_flat = x.reshape(B * N, C)

    mesh = plsc.VectorSubcoreMesh(core_axis_name="c", subcore_axis_name="s")
    sc_run = functools.partial(
        pl.kernel,
        mesh=mesh,
        out_type=jax.ShapeDtypeStruct((SC_SHARE, C), jnp.float32),
        scratch_types=[
            pltpu.VMEM((2, W, C), jnp.float32),
            pltpu.VMEM((PPW, C), jnp.float32),
            pltpu.SemaphoreType.DMA,
        ],
    )(_sc_body)
    sc_out = sc_run(x_flat)

    SC_B = SC_SHARE // NWIN
    TCB = 8
    x4 = x.reshape(B, NWIN, STRIDE, C)
    tc_out = pl.pallas_call(
        _tc_body,
        grid=(B // TCB,),
        in_specs=[pl.BlockSpec((TCB, NWIN, W, C), lambda j: (j, 0, 0, 0))],
        out_specs=pl.BlockSpec((TCB, NWIN, C), lambda j: (j, 0, 0)),
        out_shape=jax.ShapeDtypeStruct((B, NWIN, C), jnp.float32),
    )(x4)

    out = lax.dynamic_update_slice(
        tc_out, sc_out.reshape(SC_B, NWIN, C), (0, 0, 0)
    )
    return out

# --- scband reference (transcript-rebuilt; emitter-appended) ---
"""Pipeline reference for scband-averaging-op-79310866088169 (READ-ONLY COPY).

The authoritative reference and input builder live on the scoring server;
editing this copy changes nothing except your own understanding.
"""

import jax, jax.numpy as jnp
import numpy as np

DIM = 1
DOMAIN_SIZE = 2048
# 16 windows of width 16, stride 128 along dim=1
IDX = [list(range(i * 128, i * 128 + 16)) for i in range(16)]


def setup_inputs(seed: int = 0) -> dict:
    key = jax.random.key(seed)
    x = jax.random.normal(key, (16, 2048, 512), dtype=jnp.float32)
    return {"x": x}


def reference(x):
    # Faithful translation of AveragingOp.forward: for each index group,
    # gather x[..., group, ...] along DIM and take the mean over DIM,
    # then stack the group means along DIM.
    groups = [jnp.asarray(g, dtype=jnp.int32) for g in IDX]
    placeholder = (slice(None),) * (DIM % x.ndim)
    averaged = jnp.stack(
        [jnp.mean(x[placeholder + (g,)], axis=DIM) for g in groups], axis=DIM
    )
    return averaged

if __name__ == "__main__":
    import jax
    _d = setup_inputs()
    print(jax.jit(kernel)(*tuple(_d.values())))

</pallas_src>

<mosaic_0001>
#map = affine_map<(d0, d1) -> (0, 0)>
module attributes {stable_mosaic.version = 14 : i64} {
  func.func @_sc_body(%arg0: i32, %arg1: i32, %arg2: memref<32768x512xf32, #tpu.memory_space<hbm>>, %arg3: memref<32x512xf32, #tpu.memory_space<hbm>>, %arg4: memref<2x16x512xf32, #tpu.memory_space<vmem>>, %arg5: memref<1x512xf32, #tpu.memory_space<vmem>>, %arg6: memref<!tpu.dma_semaphore, #tpu.memory_space<semaphore_mem>>) attributes {dimension_semantics = [#tpu.dimension_semantics<core_parallel>, #tpu.dimension_semantics<subcore_parallel>], iteration_bounds = array<i64: 2, 16>, scalar_prefetch = 0 : i64, scratch_operands = 3 : i64, tpu.core_type = #tpu.core_type<sc_vector_subcore>, window_params = [{transform_indices = #map}, {transform_indices = #map}]} {
    %mul3A = arith.constant 2 : i32
    %mul3A_0 = arith.muli %arg1, %mul3A : i32
    %add3A = arith.addi %mul3A_0, %arg0 : i32
    %mul3A_1 = arith.constant 1 : i32
    %mul3A_2 = arith.muli %add3A, %mul3A_1 : i32
    %add3A_3 = arith.constant 0 : i32
    %add3A_4 = arith.addi %mul3A_2, %add3A_3 : i32
    %jit3A = arith.constant 16 : i32
    %div3A = arith.divsi %add3A_4, %jit3A : i32
    %sign3A = arith.constant 0 : i32
    %sign3A_5 = arith.cmpi sgt, %add3A_4, %sign3A : i32
    %sign3A_6 = arith.extui %sign3A_5 : i1 to i32
    %sign3A_7 = arith.constant 0 : i32
    %sign3A_8 = arith.cmpi slt, %add3A_4, %sign3A_7 : i32
    %sign3A_9 = arith.extui %sign3A_8 : i1 to i32
    %sign3A_10 = arith.subi %sign3A_6, %sign3A_9 : i32
    %sign3A_11 = arith.constant 0 : i32
    %sign3A_12 = arith.cmpi sgt, %jit3A, %sign3A_11 : i32
    %sign3A_13 = arith.extui %sign3A_12 : i1 to i32
    %sign3A_14 = arith.constant 0 : i32
    %sign3A_15 = arith.cmpi slt, %jit3A, %sign3A_14 : i32
    %sign3A_16 = arith.extui %sign3A_15 : i1 to i32
    %sign3A_17 = arith.subi %sign3A_13, %sign3A_16 : i32
    %ne3A = arith.cmpi ne, %sign3A_10, %sign3A_17 : i32
    %rem3A = arith.remsi %add3A_4, %jit3A : i32
    %ne3A_18 = arith.constant 0 : i32
    %ne3A_19 = arith.cmpi ne, %rem3A, %ne3A_18 : i32
    %and3A = arith.andi %ne3A, %ne3A_19 : i1
    %sub3A = arith.constant 1 : i32
    %sub3A_20 = arith.subi %div3A, %sub3A : i32
    %select_n3A = arith.select %and3A, %sub3A_20, %div3A : i32
    %mul3A_21 = arith.constant 16 : i32
    %mul3A_22 = arith.muli %select_n3A, %mul3A_21 : i32
    %sub3A_23 = arith.subi %add3A_4, %mul3A_22 : i32
    %mul3A_24 = arith.constant 2048 : i32
    %mul3A_25 = arith.muli %select_n3A, %mul3A_24 : i32
    %mul3A_26 = arith.constant 128 : i32
    %mul3A_27 = arith.muli %sub3A_23, %mul3A_26 : i32
    %add3A_28 = arith.addi %mul3A_25, %mul3A_27 : i32
    %rem3A_29 = arith.constant 0 : i32
    %rem3A_30 = arith.constant 2 : i32
    %rem3A_31 = arith.remsi %rem3A_29, %rem3A_30 : i32
    %dma_start3A = arith.constant 0 : i32
    %dma_start3A_32 = arith.constant 0 : i32
    %dma_start3A_33 = tpu.memref_slice %arg4[%rem3A_31, %dma_start3A, %dma_start3A_32] : memref<2x16x512xf32, #tpu.memory_space<vmem>> -> memref<1x16x512xf32, #tpu.memory_space<vmem>>
    %dma_start3A_34 = tpu.memref_squeeze %dma_start3A_33 : memref<1x16x512xf32, #tpu.memory_space<vmem>> -> memref<16x512xf32, #tpu.memory_space<vmem>>
    %dma_start3A_35 = arith.constant 0 : i32
    %dma_start3A_36 = tpu.memref_slice %arg2[%add3A_28, %dma_start3A_35] : memref<32768x512xf32, #tpu.memory_space<hbm>> -> memref<16x512xf32, #tpu.memory_space<hbm>>
    %dma_start3A_37 = arith.constant 0 : i32
    %dma_start3A_38 = arith.constant 0 : i32
    %dma_start3A_39 = tpu.memref_slice %arg4[%rem3A_31, %dma_start3A_37, %dma_start3A_38] : memref<2x16x512xf32, #tpu.memory_space<vmem>> -> memref<1x16x512xf32, #tpu.memory_space<vmem>>
    %dma_start3A_40 = tpu.memref_squeeze %dma_start3A_39 : memref<1x16x512xf32, #tpu.memory_space<vmem>> -> memref<16x512xf32, #tpu.memory_space<vmem>>
    %dma_start3A_41 = arith.constant 0 : i32
    %dma_start3A_42 = tpu.memref_slice %arg2[%add3A_28, %dma_start3A_41] : memref<32768x512xf32, #tpu.memory_space<hbm>> -> memref<16x512xf32, #tpu.memory_space<hbm>>
    tpu.enqueue_dma source(%dma_start3A_42 : memref<16x512xf32, #tpu.memory_space<hbm>>) target(%dma_start3A_40 : memref<16x512xf32, #tpu.memory_space<vmem>>) target_semaphore(%arg6 : memref<!tpu.dma_semaphore, #tpu.memory_space<semaphore_mem>>)
    %scan3A = arith.constant 0 : i32
    %scan3A_43 = arith.constant 0 : i32
    %add3A_44 = arith.constant 1 : i32
    %add3A_45 = arith.addi %scan3A_43, %add3A_44 : i32
    %lt3A = arith.constant 1 : i32
    %lt3A_46 = arith.cmpi slt, %add3A_45, %lt3A : i32
    %convert_element_type3A = arith.extui %lt3A_46 : i1 to i32
    %cond3A = arith.constant 0 : i32
    %cond3A_47 = arith.cmpi ne, %convert_element_type3A, %cond3A : i32
    scf.if %cond3A_47 {
      %add3A_70 = arith.constant 1 : i32
      %add3A_71 = arith.addi %scan3A_43, %add3A_70 : i32
      %add3A_72 = arith.addi %mul3A_2, %add3A_71 : i32
      %jit3A_73 = arith.constant 16 : i32
      %div3A_74 = arith.divsi %add3A_72, %jit3A_73 : i32
      %sign3A_75 = arith.constant 0 : i32
      %sign3A_76 = arith.cmpi sgt, %add3A_72, %sign3A_75 : i32
      %sign3A_77 = arith.extui %sign3A_76 : i1 to i32
      %sign3A_78 = arith.constant 0 : i32
      %sign3A_79 = arith.cmpi slt, %add3A_72, %sign3A_78 : i32
      %sign3A_80 = arith.extui %sign3A_79 : i1 to i32
      %sign3A_81 = arith.subi %sign3A_77, %sign3A_80 : i32
      %sign3A_82 = arith.constant 0 : i32
      %sign3A_83 = arith.cmpi sgt, %jit3A_73, %sign3A_82 : i32
      %sign3A_84 = arith.extui %sign3A_83 : i1 to i32
      %sign3A_85 = arith.constant 0 : i32
      %sign3A_86 = arith.cmpi slt, %jit3A_73, %sign3A_85 : i32
      %sign3A_87 = arith.extui %sign3A_86 : i1 to i32
      %sign3A_88 = arith.subi %sign3A_84, %sign3A_87 : i32
      %ne3A_89 = arith.cmpi ne, %sign3A_81, %sign3A_88 : i32
      %rem3A_90 = arith.remsi %add3A_72, %jit3A_73 : i32
      %ne3A_91 = arith.constant 0 : i32
      %ne3A_92 = arith.cmpi ne, %rem3A_90, %ne3A_91 : i32
      %and3A_93 = arith.andi %ne3A_89, %ne3A_92 : i1
      %sub3A_94 = arith.constant 1 : i32
      %sub3A_95 = arith.subi %div3A_74, %sub3A_94 : i32
      %select_n3A_96 = arith.select %and3A_93, %sub3A_95, %div3A_74 : i32
      %mul3A_97 = arith.constant 16 : i32
      %mul3A_98 = arith.muli %select_n3A_96, %mul3A_97 : i32
      %sub3A_99 = arith.subi %add3A_72, %mul3A_98 : i32
      %mul3A_100 = arith.constant 2048 : i32
      %mul3A_101 = arith.muli %select_n3A_96, %mul3A_100 : i32
      %mul3A_102 = arith.constant 128 : i32
      %mul3A_103 = arith.muli %sub3A_99, %mul3A_102 : i32
      %add3A_104 = arith.addi %mul3A_101, %mul3A_103 : i32
      %rem3A_105 = arith.constant 2 : i32
      %rem3A_106 = arith.remsi %add3A_71, %rem3A_105 : i32
      %dma_start3A_107 = arith.constant 0 : i32
      %dma_start3A_108 = arith.constant 0 : i32
      %dma_start3A_109 = tpu.memref_slice %arg4[%rem3A_106, %dma_start3A_107, %dma_start3A_108] : memref<2x16x512xf32, #tpu.memory_space<vmem>> -> memref<1x16x512xf32, #tpu.memory_space<vmem>>
      %dma_start3A_110 = tpu.memref_squeeze %dma_start3A_109 : memref<1x16x512xf32, #tpu.memory_space<vmem>> -> memref<16x512xf32, #tpu.memory_space<vmem>>
      %dma_start3A_111 = arith.constant 0 : i32
      %dma_start3A_112 = tpu.memref_slice %arg2[%add3A_104, %dma_start3A_111] : memref<32768x512xf32, #tpu.memory_space<hbm>> -> memref<16x512xf32, #tpu.memory_space<hbm>>
      %dma_start3A_113 = arith.constant 0 : i32
      %dma_start3A_114 = arith.constant 0 : i32
      %dma_start3A_115 = tpu.memref_slice %arg4[%rem3A_106, %dma_start3A_113, %dma_start3A_114] : memref<2x16x512xf32, #tpu.memory_space<vmem>> -> memref<1x16x512xf32, #tpu.memory_space<vmem>>
      %dma_start3A_116 = tpu.memref_squeeze %dma_start3A_115 : memref<1x16x512xf32, #tpu.memory_space<vmem>> -> memref<16x512xf32, #tpu.memory_space<vmem>>
      %dma_start3A_117 = arith.constant 0 : i32
      %dma_start3A_118 = tpu.memref_slice %arg2[%add3A_104, %dma_start3A_117] : memref<32768x512xf32, #tpu.memory_space<hbm>> -> memref<16x512xf32, #tpu.memory_space<hbm>>
      tpu.enqueue_dma source(%dma_start3A_118 : memref<16x512xf32, #tpu.memory_space<hbm>>) target(%dma_start3A_116 : memref<16x512xf32, #tpu.memory_space<vmem>>) target_semaphore(%arg6 : memref<!tpu.dma_semaphore, #tpu.memory_space<semaphore_mem>>)
    } else {
    }
    %rem3A_48 = arith.constant 2 : i32
    %rem3A_49 = arith.remsi %scan3A_43, %rem3A_48 : i32
    %dma_wait3A = arith.constant 0 : i32
    %dma_wait3A_50 = arith.constant 0 : i32
    %dma_wait3A_51 = tpu.memref_slice %arg4[%rem3A_49, %dma_wait3A, %dma_wait3A_50] : memref<2x16x512xf32, #tpu.memory_space<vmem>> -> memref<1x16x512xf32, #tpu.memory_space<vmem>>
    %dma_wait3A_52 = tpu.memref_squeeze %dma_wait3A_51 : memref<1x16x512xf32, #tpu.memory_space<vmem>> -> memref<16x512xf32, #tpu.memory_space<vmem>>
    %dma_wait3A_53 = arith.constant 0 : i32
    %dma_wait3A_54 = arith.constant 0 : i32
    %dma_wait3A_55 = tpu.memref_slice %arg2[%dma_wait3A_53, %dma_wait3A_54] : memref<32768x512xf32, #tpu.memory_space<hbm>> -> memref<16x512xf32, #tpu.memory_space<hbm>>
    %dma_wait3A_56 = arith.constant 0 : i32
    %dma_wait3A_57 = arith.constant 0 : i32
    %dma_wait3A_58 = tpu.memref_slice %arg4[%rem3A_49, %dma_wait3A_56, %dma_wait3A_57] : memref<2x16x512xf32, #tpu.memory_space<vmem>> -> memref<1x16x512xf32, #tpu.memory_space<vmem>>
    %dma_wait3A_59 = tpu.memref_squeeze %dma_wait3A_58 : memref<1x16x512xf32, #tpu.memory_space<vmem>> -> memref<16x512xf32, #tpu.memory_space<vmem>>
    %dma_wait3A_60 = arith.constant 0 : i32
    %dma_wait3A_61 = arith.constant 0 : i32
    %dma_wait3A_62 = tpu.memref_slice %arg2[%dma_wait3A_60, %dma_wait3A_61] : memref<32768x512xf32, #tpu.memory_space<hbm>> -> memref<16x512xf32, #tpu.memory_space<hbm>>
    tpu.wait_dma2 semaphore(%arg6 : memref<!tpu.dma_semaphore, #tpu.memory_space<semaphore_mem>>) src(%dma_wait3A_62 : memref<16x512xf32, #tpu.memory_space<hbm>>) dst(%dma_wait3A_59 : memref<16x512xf32, #tpu.memory_space<vmem>>)
    %scan3A_63 = arith.constant 0 : i32
    %scan3A_64 = arith.constant 0 : i32
    %scan3A_65 = arith.constant 32 : i32
    %scan3A_66 = arith.addi %scan3A_64, %scan3A_65 : i32
    %scan3A_67 = arith.constant 1 : i32
    scf.for %scan3A_70 = %scan3A_64 to %scan3A_66 step %scan3A_67  : i32 {
      %mul3A_71 = arith.constant 16 : i32
      %mul3A_72 = arith.muli %scan3A_70, %mul3A_71 : i32
      %get3A = arith.constant 0 : i32
      %get3A_73 = arith.index_cast %rem3A_49 : i32 to index
      %get3A_74 = arith.index_cast %get3A : i32 to index
      %get3A_75 = arith.index_cast %mul3A_72 : i32 to index
      %get3A_76 = tpu.vector_load %arg4[%get3A_73, %get3A_74, %get3A_75] {strides = array<i32>} : memref<2x16x512xf32, #tpu.memory_space<vmem>>, vector<1x1x16xf32>,
      %get3A_77 = vector.shape_cast %get3A_76 : vector<1x1x16xf32> to vector<16xf32>
      %get3A_78 = arith.constant 1 : i32
      %get3A_79 = arith.index_cast %rem3A_49 : i32 to index
      %get3A_80 = arith.index_cast %get3A_78 : i32 to index
      %get3A_81 = arith.index_cast %mul3A_72 : i32 to index
      %get3A_82 = tpu.vector_load %arg4[%get3A_79, %get3A_80, %get3A_81] {strides = array<i32>} : memref<2x16x512xf32, #tpu.memory_space<vmem>>, vector<1x1x16xf32>,
      %get3A_83 = vector.shape_cast %get3A_82 : vector<1x1x16xf32> to vector<16xf32>
      %get3A_84 = arith.constant 2 : i32
      %get3A_85 = arith.index_cast %rem3A_49 : i32 to index
      %get3A_86 = arith.index_cast %get3A_84 : i32 to index
      %get3A_87 = arith.index_cast %mul3A_72 : i32 to index
      %get3A_88 = tpu.vector_load %arg4[%get3A_85, %get3A_86, %get3A_87] {strides = array<i32>} : memref<2x16x512xf32, #tpu.memory_space<vmem>>, vector<1x1x16xf32>,
      %get3A_89 = vector.shape_cast %get3A_88 : vector<1x1x16xf32> to vector<16xf32>
      %get3A_90 = arith.constant 3 : i32
      %get3A_91 = arith.index_cast %rem3A_49 : i32 to index
      %get3A_92 = arith.index_cast %get3A_90 : i32 to index
      %get3A_93 = arith.index_cast %mul3A_72 : i32 to index
      %get3A_94 = tpu.vector_load %arg4[%get3A_91, %get3A_92, %get3A_93] {strides = array<i32>} : memref<2x16x512xf32, #tpu.memory_space<vmem>>, vector<1x1x16xf32>,
      %get3A_95 = vector.shape_cast %get3A_94 : vector<1x1x16xf32> to vector<16xf32>
      %get3A_96 = arith.constant 4 : i32
      %get3A_97 = arith.index_cast %rem3A_49 : i32 to index
      %get3A_98 = arith.index_cast %get3A_96 : i32 to index
      %get3A_99 = arith.index_cast %mul3A_72 : i32 to index
      %get3A_100 = tpu.vector_load %arg4[%get3A_97, %get3A_98, %get3A_99] {strides = array<i32>} : memref<2x16x512xf32, #tpu.memory_space<vmem>>, vector<1x1x16xf32>,
      %get3A_101 = vector.shape_cast %get3A_100 : vector<1x1x16xf32> to vector<16xf32>
      %get3A_102 = arith.constant 5 : i32
      %get3A_103 = arith.index_cast %rem3A_49 : i32 to index
      %get3A_104 = arith.index_cast %get3A_102 : i32 to index
      %get3A_105 = arith.index_cast %mul3A_72 : i32 to index
      %get3A_106 = tpu.vector_load %arg4[%get3A_103, %get3A_104, %get3A_105] {strides = array<i32>} : memref<2x16x512xf32, #tpu.memory_space<vmem>>, vector<1x1x16xf32>,
      %get3A_107 = vector.shape_cast %get3A_106 : vector<1x1x16xf32> to vector<16xf32>
      %get3A_108 = arith.constant 6 : i32
      %get3A_109 = arith.index_cast %rem3A_49 : i32 to index
      %get3A_110 = arith.index_cast %get3A_108 : i32 to index
      %get3A_111 = arith.index_cast %mul3A_72 : i32 to index
      %get3A_112 = tpu.vector_load %arg4[%get3A_109, %get3A_110, %get3A_111] {strides = array<i32>} : memref<2x16x512xf32, #tpu.memory_space<vmem>>, vector<1x1x16xf32>,
      %get3A_113 = vector.shape_cast %get3A_112 : vector<1x1x16xf32> to vector<16xf32>
      %get3A_114 = arith.constant 7 : i32
      %get3A_115 = arith.index_cast %rem3A_49 : i32 to index
      %get3A_116 = arith.index_cast %get3A_114 : i32 to index
      %get3A_117 = arith.index_cast %mul3A_72 : i32 to index
      %get3A_118 = tpu.vector_load %arg4[%get3A_115, %get3A_116, %get3A_117] {strides = array<i32>} : memref<2x16x512xf32, #tpu.memory_space<vmem>>, vector<1x1x16xf32>,
      %get3A_119 = vector.shape_cast %get3A_118 : vector<1x1x16xf32> to vector<16xf32>
      %get3A_120 = arith.constant 8 : i32
      %get3A_121 = arith.index_cast %rem3A_49 : i32 to index
      %get3A_122 = arith.index_cast %get3A_120 : i32 to index
      %get3A_123 = arith.index_cast %mul3A_72 : i32 to index
      %get3A_124 = tpu.vector_load %arg4[%get3A_121, %get3A_122, %get3A_123] {strides = array<i32>} : memref<2x16x512xf32, #tpu.memory_space<vmem>>, vector<1x1x16xf32>,
      %get3A_125 = vector.shape_cast %get3A_124 : vector<1x1x16xf32> to vector<16xf32>
      %get3A_126 = arith.constant 9 : i32
      %get3A_127 = arith.index_cast %rem3A_49 : i32 to index
      %get3A_128 = arith.index_cast %get3A_126 : i32 to index
      %get3A_129 = arith.index_cast %mul3A_72 : i32 to index
      %get3A_130 = tpu.vector_load %arg4[%get3A_127, %get3A_128, %get3A_129] {strides = array<i32>} : memref<2x16x512xf32, #tpu.memory_space<vmem>>, vector<1x1x16xf32>,
      %get3A_131 = vector.shape_cast %get3A_130 : vector<1x1x16xf32> to vector<16xf32>
      %get3A_132 = arith.constant 10 : i32
      %get3A_133 = arith.index_cast %rem3A_49 : i32 to index
      %get3A_134 = arith.index_cast %get3A_132 : i32 to index
      %get3A_135 = arith.index_cast %mul3A_72 : i32 to index
      %get3A_136 = tpu.vector_load %arg4[%get3A_133, %get3A_134, %get3A_135] {strides = array<i32>} : memref<2x16x512xf32, #tpu.memory_space<vmem>>, vector<1x1x16xf32>,
      %get3A_137 = vector.shape_cast %get3A_136 : vector<1x1x16xf32> to vector<16xf32>
      %get3A_138 = arith.constant 11 : i32
      %get3A_139 = arith.index_cast %rem3A_49 : i32 to index
      %get3A_140 = arith.index_cast %get3A_138 : i32 to index
      %get3A_141 = arith.index_cast %mul3A_72 : i32 to index
      %get3A_142 = tpu.vector_load %arg4[%get3A_139, %get3A_140, %get3A_141] {strides = array<i32>} : memref<2x16x512xf32, #tpu.memory_space<vmem>>, vector<1x1x16xf32>,
      %get3A_143 = vector.shape_cast %get3A_142 : vector<1x1x16xf32> to vector<16xf32>
      %get3A_144 = arith.constant 12 : i32
      %get3A_145 = arith.index_cast %rem3A_49 : i32 to index
      %get3A_146 = arith.index_cast %get3A_144 : i32 to index
      %get3A_147 = arith.index_cast %mul3A_72 : i32 to index
      %get3A_148 = tpu.vector_load %arg4[%get3A_145, %get3A_146, %get3A_147] {strides = array<i32>} : memref<2x16x512xf32, #tpu.memory_space<vmem>>, vector<1x1x16xf32>,
      %get3A_149 = vector.shape_cast %get3A_148 : vector<1x1x16xf32> to vector<16xf32>
      %get3A_150 = arith.constant 13 : i32
      %get3A_151 = arith.index_cast %rem3A_49 : i32 to index
      %get3A_152 = arith.index_cast %get3A_150 : i32 to index
      %get3A_153 = arith.index_cast %mul3A_72 : i32 to index
      %get3A_154 = tpu.vector_load %arg4[%get3A_151, %get3A_152, %get3A_153] {strides = array<i32>} : memref<2x16x512xf32, #tpu.memory_space<vmem>>, vector<1x1x16xf32>,
      %get3A_155 = vector.shape_cast %get3A_154 : vector<1x1x16xf32> to vector<16xf32>
      %get3A_156 = arith.constant 14 : i32
      %get3A_157 = arith.index_cast %rem3A_49 : i32 to index
      %get3A_158 = arith.index_cast %get3A_156 : i32 to index
      %get3A_159 = arith.index_cast %mul3A_72 : i32 to index
      %get3A_160 = tpu.vector_load %arg4[%get3A_157, %get3A_158, %get3A_159] {strides = array<i32>} : memref<2x16x512xf32, #tpu.memory_space<vmem>>, vector<1x1x16xf32>,
      %get3A_161 = vector.shape_cast %get3A_160 : vector<1x1x16xf32> to vector<16xf32>
      %get3A_162 = arith.constant 15 : i32
      %get3A_163 = arith.index_cast %rem3A_49 : i32 to index
      %get3A_164 = arith.index_cast %get3A_162 : i32 to index
      %get3A_165 = arith.index_cast %mul3A_72 : i32 to index
      %get3A_166 = tpu.vector_load %arg4[%get3A_163, %get3A_164, %get3A_165] {strides = array<i32>} : memref<2x16x512xf32, #tpu.memory_space<vmem>>, vector<1x1x16xf32>,
      %get3A_167 = vector.shape_cast %get3A_166 : vector<1x1x16xf32> to vector<16xf32>
      %add3A_168 = arith.addf %get3A_77, %get3A_83 : vector<16xf32>
      %add3A_169 = arith.addf %get3A_89, %get3A_95 : vector<16xf32>
      %add3A_170 = arith.addf %get3A_101, %get3A_107 : vector<16xf32>
      %add3A_171 = arith.addf %get3A_113, %get3A_119 : vector<16xf32>
      %add3A_172 = arith.addf %get3A_125, %get3A_131 : vector<16xf32>
      %add3A_173 = arith.addf %get3A_137, %get3A_143 : vector<16xf32>
      %add3A_174 = arith.addf %get3A_149, %get3A_155 : vector<16xf32>
      %add3A_175 = arith.addf %get3A_161, %get3A_167 : vector<16xf32>
      %add3A_176 = arith.addf %add3A_168, %add3A_169 : vector<16xf32>
      %add3A_177 = arith.addf %add3A_170, %add3A_171 : vector<16xf32>
      %add3A_178 = arith.addf %add3A_172, %add3A_173 : vector<16xf32>
      %add3A_179 = arith.addf %add3A_174, %add3A_175 : vector<16xf32>
      %add3A_180 = arith.addf %add3A_176, %add3A_177 : vector<16xf32>
      %add3A_181 = arith.addf %add3A_178, %add3A_179 : vector<16xf32>
      %add3A_182 = arith.addf %add3A_180, %add3A_181 : vector<16xf32>
      %mul3A_183 = arith.constant 6.250000e-02 : f32
      %mul3A_184 = vector.broadcast %mul3A_183 : f32 to vector<16xf32>
      %mul3A_185 = arith.mulf %add3A_182, %mul3A_184 : vector<16xf32>
      %swap3A = arith.index_cast %scan3A_43 : i32 to index
      %swap3A_186 = arith.index_cast %mul3A_72 : i32 to index
      %swap3A_187 = tpu.vector_load %arg5[%swap3A, %swap3A_186] {strides = array<i32>} : memref<1x512xf32, #tpu.memory_space<vmem>>, vector<1x16xf32>,
      %swap3A_188 = vector.shape_cast %swap3A_187 : vector<1x16xf32> to vector<16xf32>
      %swap3A_189 = vector.shape_cast %mul3A_185 : vector<16xf32> to vector<1x16xf32>
      tpu.vector_store %arg5[%swap3A, %swap3A_186], %swap3A_189 {strides = array<i32>} : memref<1x512xf32, #tpu.memory_space<vmem>>, vector<1x16xf32>,
    }
    %scan3A_68 = arith.constant 32 : i32
    %scan3A_69 = arith.constant 1 : i32
    "tpu.region"() ({
      %run_scoped3A = tpu.sem_alloc : memref<!tpu.dma_semaphore, #tpu.memory_space<semaphore_mem>>
      %dma_start3A_70 = arith.constant 0 : i32
      %dma_start3A_71 = tpu.memref_slice %arg3[%mul3A_2, %dma_start3A_70] : memref<32x512xf32, #tpu.memory_space<hbm>> -> memref<1x512xf32, #tpu.memory_space<hbm>>
      %dma_start3A_72 = arith.constant 0 : i32
      %dma_start3A_73 = tpu.memref_slice %arg3[%mul3A_2, %dma_start3A_72] : memref<32x512xf32, #tpu.memory_space<hbm>> -> memref<1x512xf32, #tpu.memory_space<hbm>>
      tpu.enqueue_dma source(%arg5 : memref<1x512xf32, #tpu.memory_space<vmem>>) target(%dma_start3A_73 : memref<1x512xf32, #tpu.memory_space<hbm>>) target_semaphore(%run_scoped3A : memref<!tpu.dma_semaphore, #tpu.memory_space<semaphore_mem>>)
      %dma_wait3A_74 = arith.constant 0 : i32
      %dma_wait3A_75 = tpu.memref_slice %arg3[%mul3A_2, %dma_wait3A_74] : memref<32x512xf32, #tpu.memory_space<hbm>> -> memref<1x512xf32, #tpu.memory_space<hbm>>
      %dma_wait3A_76 = arith.constant 0 : i32
      %dma_wait3A_77 = tpu.memref_slice %arg3[%mul3A_2, %dma_wait3A_76] : memref<32x512xf32, #tpu.memory_space<hbm>> -> memref<1x512xf32, #tpu.memory_space<hbm>>
      tpu.wait_dma2 semaphore(%run_scoped3A : memref<!tpu.dma_semaphore, #tpu.memory_space<semaphore_mem>>) src(%arg5 : memref<1x512xf32, #tpu.memory_space<vmem>>) dst(%dma_wait3A_77 : memref<1x512xf32, #tpu.memory_space<hbm>>)
      tpu.yield
    }) : () -> ()
    return
  }
}

module attributes {stable_mosaic.version = 14 : i64} {
  func.func @_tc_body(%arg0: i32, %arg1: memref<8x16x16x512xf32, #tpu.memory_space<vmem>>, %arg2: memref<8x16x512xf32, #tpu.memory_space<vmem>>) attributes {dimension_semantics = [#tpu.dimension_semantics<arbitrary>], iteration_bounds = array<i64: 2>, scalar_prefetch = 0 : i64, scratch_operands = 0 : i64, tpu.core_type = #tpu.core_type<tc>, window_params = [{transform_indices = @transform_0, window_bounds = array<i64: 8, 16, 16, 512>}, {transform_indices = @transform_1, window_bounds = array<i64: 8, 16, 512>}]} {
    %get3A = arith.constant 0 : index
    %get3A_0 = arith.constant 0 : index
    %get3A_1 = arith.constant 0 : index
    %get3A_2 = arith.constant 0 : index
    %get3A_3 = vector.load %arg1[%get3A, %get3A_0, %get3A_1, %get3A_2] : memref<8x16x16x512xf32, #tpu.memory_space<vmem>>, vector<8x16x16x512xf32>
    %reduce_sum3A = arith.constant dense<0.000000e+00> : vector<8x16x512xf32>
    %reduce_sum3A_4 = vector.multi_reduction <add>, %get3A_3, %reduce_sum3A [2] : vector<8x16x16x512xf32> to vector<8x16x512xf32>
    %div3A = arith.constant 1.600000e+01 : f32
    %div3A_5 = vector.broadcast %div3A : f32 to vector<8x16x512xf32>
    %div3A_6 = arith.divf %reduce_sum3A_4, %div3A_5 : vector<8x16x512xf32>
    %swap3A = arith.constant 0 : index
    %swap3A_7 = arith.constant 0 : index
    %swap3A_8 = arith.constant 0 : index
    %swap3A_9 = vector.load %arg2[%swap3A, %swap3A_7, %swap3A_8] : memref<8x16x512xf32, #tpu.memory_space<vmem>>, vector<8x16x512xf32>
    tpu.vector_store %arg2[%swap3A, %swap3A_7, %swap3A_8], %div3A_6 {strides = array<i32>} : memref<8x16x512xf32, #tpu.memory_space<vmem>>, vector<8x16x512xf32>,
    return
  }
  func.func @transform_0(%arg0: i32) -> (i32, i32, i32, i32) {
    %c0_i32 = arith.constant 0 : i32
    %c0_i32_0 = arith.constant 0 : i32
    %c0_i32_1 = arith.constant 0 : i32
    %c0_i32_2 = arith.constant 0 : i32
    return %arg0, %c0_i32, %c0_i32_0, %c0_i32_1 : i32, i32, i32, i32
  }
  func.func @transform_1(%arg0: i32) -> (i32, i32, i32) {
    %c0_i32 = arith.constant 0 : i32
    %c0_i32_0 = arith.constant 0 : i32
    %c0_i32_1 = arith.constant 0 : i32
    return %arg0, %c0_i32, %c0_i32_0 : i32, i32, i32
  }
}

</mosaic_0001>

<sc_bundles>
// kernel: kernel.4.cloned.1.call-start
scs
__scs_entry_jumppad:
0x0: {  	(pc) =	sbr.rel $0x88, $3  }
0x1: {  	(tag) =	ssettag $0x0;
	lr =	simm.s32 $0x1  }
0x2: {  	[smem:$0x3FA0] =	sst lr;
	_ =	strace $0xD0000000  }
0x3: {  	_ = 	snop  }
0x4: {  	_ = 	snop  }
0x5: {  	_ = 	snop  }
0x6: {  	_ = 	snop  }
0x7: {  	_ = 	snop  }
__scs_overlays_trampoline_lowered:
0x8: {  	[smem:$0x3FAF] =	sst s0  }
0x9: {  	[smem:$0x3FB0] =	sst s1  }
0xa: {  	[smem:$0x3FB1] =	sst s2  }
0xb: {  	[smem:$0x3FB2] =	sst s3  }
0xc: {  	[smem:$0x3FB3] =	sst s4  }
0xd: {  	[smem:$0x3FB4] =	sst s5  }
0xe: {  	[smem:$0x3FB5] =	sst s6  }
0xf: {  	[smem:$0x3FB6] =	sst s7  }
0x10: {  	[smem:$0x3FB7] =	sst s8  }
0x11: {  	[smem:$0x3FB8] =	sst s9;
	s0 =	simm.s32 @!p0 $0x0  }
0x12: {  	s1 =	sld [smem:$0x3F9E];
	s0 =	simm.s32 @p0 $0x1  }
0x13: {  	[smem:$0x3FB9] =	sst s0;
	s0 =	simm.s32 @!p1 $0x0  }
0x14: {  	s2 =	sld [smem:$0x3F9D];
	s0 =	simm.s32 @p1 $0x1  }
0x15: {  	[smem:$0x3FBA] =	sst s0;
	s0 =	simm.s32 @!p2 $0x0  }
0x16: {  	s3 =	sld [smem:$0x3FDB];
	s0 =	simm.s32 @p2 $0x1  }
0x17: {  	s4 =	simm.s32 $0x1BF5;
	[smem:$0x3FBC] =	sst s0  }
0x18: {  	s0 =	sld [smem:$0x3F9F];
	_ =	swait.ge [sflag:s4], $0x0  }
0x19: {  	s7 =	sld [smem:$0x3FA0]  }
0x1a: {  	s8 =	sadd.s32 $0xFFFFE003, lr  }
0x1b: {  	s9 =	sadd.s32 $0xFFFFFEF7, lr;
	s5 =	simm.s32 $0xFFFFFFFF;
	p2 =	slt.u32 s8, $0xFFFFF086  }
0x1c: {  	p1 =	slt.u32 s9, $0xF7A;
	s5 =	simm.s32 @!p2 $0x0  }
0x1d: {  	s5 =	simm.s32 @p1 $0x1;
	p0 =	seq.s32 s7, s2  }
0x1e: {  	s7 =	smul.u32 @!p0 $0xF7A, s2;
	p2 =	seq.s32 @!p0 s5, $0x0  }
0x1f: {  	s9 =	smul.u32 $0xF7A, s1;
	s8 =	simm.s32 @!p0 $0x1BF5;
	p2 =	por !p2, p0  }
0x20: {  	[sflag:s8] =	ssyncset.s32 @!p0 $0xFFFFF086;
	s6 =	sadd.s32 @!p0 s3, s7;
	s7 =	simm.s32 @!p0 $0x108  }
0x21: {  	s3 =	sadd.s32 s3, s9;
	s6 =	sadd.s32 @!p0 $0x88, s6;
	s7 =	simm.s32 @p2 $0x1082  }
0x22: {  	[simem:s7], [sflag:s8] =	dma.local @!p0 [hbm:s6], $0xF7A  }
0x23: {  	s9 =	sor.u32 $0xD0000000, s2;
	s6 =	simm.s32 $0x108;
	_ =	swait.ge @!p0 [sflag:s8], $0x0  }
0x24: {  	s3 =	sadd.s32 $0x88, s3;
	s6 =	simm.s32 @!p1 $0x1082;
	[sflag:s4] =	ssyncset.s32 $0xFFFFF086  }
0x25: {  	[simem:s6], [sflag:s4] =	dma.local [hbm:s3], $0xF7A  }
0x26: {  	[smem:$0x3FA0] =	sst s1;
	(tag) =	ssettag s2;
	_ =	strace s9  }
0x27: {  	s1 =	sld [smem:$0x3FB0]  }
0x28: {  	s2 =	sld [smem:$0x3FB1]  }
0x29: {  	s4 =	sld [smem:$0x3FB3]  }
0x2a: {  	p0 =	seq.s32 s5, $0x0;
	s5 =	sld [smem:$0x3FB4]  }
0x2b: {  	s6 =	sld [smem:$0x3FB5]  }
0x2c: {  	s7 =	sld [smem:$0x3FB6]  }
0x2d: {  	s3 =	simm.s32 $0x108;
	s8 =	sld [smem:$0x3FB7]  }
0x2e: {  	s3 =	simm.s32 @!p0 $0x1082;
	s9 =	sld [smem:$0x3FB8]  }
0x2f: {  	lr =	sadd.s32 s0, s3;
	s0 =	sld [smem:$0x3FAF]  }
0x30: {  	s3 =	sld [smem:$0x3FB2]  }
0x31: {  	[smem:$0x3FBB] =	sst s10  }
0x32: {  	s10 =	sld [smem:$0x3FB9];
	_ =	sdelay $0x3  }
0x33: {  	p0 =	seq.s32 s10, $0x1;
	s10 =	sld [smem:$0x3FBB];
	_ =	sdelay $0x3  }
0x34: {  	[smem:$0x3FBB] =	sst s10  }
0x35: {  	s10 =	sld [smem:$0x3FBA];
	_ =	sdelay $0x3  }
0x36: {  	p1 =	seq.s32 s10, $0x1;
	s10 =	sld [smem:$0x3FBB];
	_ =	sdelay $0x3  }
0x37: {  	[smem:$0x3FBB] =	sst s10  }
0x38: {  	s10 =	sld [smem:$0x3FBC]  }
0x39: {  	_ = 	snop;
	(pc) =	sbr.ind lr, $3  }
0x3a: {  	_ = 	snop  }
0x3b: {  	_ = 	snop  }
0x3c: {  	p2 =	seq.s32 s10, $0x1;
	s10 =	sld [smem:$0x3FBB]  }
0x3d: {  	_ =	shalt  }
0x3e: {  	_ =	shalt  }
0x3f: {  	_ =	shalt  }
0x40: {  	_ =	shalt  }
0x41: {  	_ =	shalt  }
0x42: {  	_ =	shalt  }
0x43: {  	_ =	shalt  }
0x44: {  	_ =	shalt  }
0x45: {  	_ =	shalt  }
0x46: {  	_ =	shalt  }
0x47: {  	_ =	shalt  }
0x48: {  	_ =	shalt  }
0x49: {  	_ =	shalt  }
0x4a: {  	_ =	shalt  }
0x4b: {  	_ =	shalt  }
0x4c: {  	_ =	shalt  }
0x4d: {  	_ =	shalt  }
0x4e: {  	_ =	shalt  }
0x4f: {  	_ =	shalt  }
0x50: {  	_ =	shalt  }
0x51: {  	_ =	shalt  }
0x52: {  	_ =	shalt  }
0x53: {  	_ =	shalt  }
0x54: {  	_ =	shalt  }
0x55: {  	_ =	shalt  }
0x56: {  	_ =	shalt  }
0x57: {  	_ =	shalt  }
0x58: {  	_ =	shalt  }
0x59: {  	_ =	shalt  }
0x5a: {  	_ =	shalt  }
0x5b: {  	_ =	shalt  }
0x5c: {  	_ =	shalt  }
0x5d: {  	_ =	shalt  }
0x5e: {  	_ =	shalt  }
0x5f: {  	_ =	shalt  }
0x60: {  	_ =	shalt  }
0x61: {  	_ =	shalt  }
0x62: {  	_ =	shalt  }
0x63: {  	_ =	shalt  }
0x64: {  	_ =	shalt  }
0x65: {  	_ =	shalt  }
0x66: {  	_ =	shalt  }
0x67: {  	_ =	shalt  }
0x68: {  	_ =	shalt  }
0x69: {  	_ =	shalt  }
0x6a: {  	_ =	shalt  }
0x6b: {  	_ =	shalt  }
0x6c: {  	_ =	shalt  }
0x6d: {  	_ =	shalt  }
0x6e: {  	_ =	shalt  }
0x6f: {  	_ =	shalt  }
0x70: {  	_ =	shalt  }
0x71: {  	_ =	shalt  }
0x72: {  	_ =	shalt  }
0x73: {  	_ =	shalt  }
0x74: {  	_ =	shalt  }
0x75: {  	_ =	shalt  }
0x76: {  	_ =	shalt  }
0x77: {  	_ =	shalt  }
0x78: {  	_ =	shalt  }
0x79: {  	_ =	shalt  }
0x7a: {  	_ =	shalt  }
0x7b: {  	_ =	shalt  }
0x7c: {  	_ =	shalt  }
0x7d: {  	_ =	shalt  }
0x7e: {  	_ =	shalt  }
0x7f: {  	_ =	shalt  }
0x80: {  	_ =	shalt  }
0x81: {  	_ =	shalt  }
0x82: {  	_ =	shalt  }
0x83: {  	_ =	shalt  }
0x84: {  	_ =	shalt  }
0x85: {  	_ =	shalt  }
0x86: {  	_ =	shalt  }
0x87: {  	_ =	shalt  }
.Lfunc_end0:
.L_simem_size_0:
called_computation_lowered:
.L_overlay_start_0:
0x88: {  	s2 =	sld [smem:$0x3FD9]  }
0x89: {  	s3 =	sld [smem:$0x3FFE];
	_ =	sdelay $0x1  }
0x8a: {  	s1 =	srdreg.scid  }
0x8b: {  	s0 =	sand.u32 $0x1, s1  }
0x8c: {  	s17 =	sshll.u32 s0, $0xA;
	s2 =	sadd.s32 s3, s2  }
0x8d: {  	s2 =	sadd.s32 s2, s17  }
0x8e: {  	[smem:$0x3FC7] =	sst s2  }
0x8f: {  	_ = 	snop  }
0x90: {  	s2 =	sld [smem:$0x3FC9];
	(tm) =	ssettm $0x1  }
0x91: {  	s18 =	sld [smem:$0x3FFB];
	_ =	sdelay $0x3  }
0x92: {  	_ =	strace s18  }
0x93: {  	s3 =	sld [smem:$0x3FFC];
	_ =	sdelay $0x3  }
0x94: {  	_ =	strace s3  }
0x95: {  	s3 =	sld [smem:$0x3FFD];
	_ =	sdelay $0x3  }
0x96: {  	_ =	strace s3  }
0x97: {  	_ =	strace $0x8FFFFFFF  }
0x98: {  	s19 =	sld [smem:$0x3FDB];
	_ =	sdelay $0x1  }
0x99: {  	s4 =	simm.s32 $_scs_section_size  }
0x9a: {  	s5 =	simm.s32 $_size__tile_overlayer_lowered;
	s6 =	simm.s32 $_tile_overlayer_lowered  }
0x9b: {  	s22 =	simm.s32 $0x1BFF;
	s21 =	sshll.u32 s6, $0x1;
	s3 =	sadd.s32 s4, s19  }
0x9c: {  	s7 =	simm.s32 $0x0;
	s20 =	sshll.u32 s5, $0x1;
	s5 =	sadd.s32 s21, s3  }
0x9d: {  	[timem:s7], [sflag:s22] =	dma.local [hbm:s5], s20  }
0x9e: {  	_ =	swait.ge [sflag:s22], s20  }
0x9f: {  	s4 =	ssub.s32 $0x0, s20;
	[sflag:s22] =	ssyncset.done $0x0  }
0xa0: {  	[sflag:s22] =	ssyncadd.s32 s4;
	_ =	sdelay $0x1  }
0xa1: {  	s23 =	simm.s32 $0x1B8B  }
0xa2: {  	_ =	swait.ge [sflag:s23], $0x1  }
0xa3: {  	[sflag:s23] =	ssyncset.done $0x0  }
0xa4: {  	s25 =	simm.s32 $0x1B8E;
	s24 =	sld [smem:$0x3FFE];
	[sflag:s23] =	ssyncadd.s32 $0xFFFFFFFF  }
0xa5: {  	s26 =	simm.s32 $execute0_lowered;
	[smem:$0x3FD2] =	sst s25  }
0xa6: {  	s5 =	sshll.u32 s26, $0x1;
	_ =	strace $0x80000046;
	[dreg:$0x1] =	wrdreg $0xFFFFFFFF  }
0xa7: {  	s28 =	simm.s32 $_size_execute0_lowered;
	s3 =	sadd.s32 s3, s5;
	[dreg:$0x0] =	wrdreg $0x0  }
0xa8: {  	s5 =	sshll.u32 s28, $0x1;
	[dreg:$0x2] =	wrdreg s3  }
0xa9: {  	[dreg:$0x3] =	wrdreg s5  }
0xaa: {  	[dreg:$0x4] =	wrdreg $0xC0  }
0xab: {  	_ =	task [dreg:s7], $0x5FFFF  }
0xac: {  	[dreg:$0x1] =	wrdreg $0xFFFFFFFF  }
0xad: {  	[dreg:$0x0] =	wrdreg $0x60  }
0xae: {  	[dreg:$0x2] =	wrdreg s2  }
0xaf: {  	[dreg:$0x3] =	wrdreg s24  }
0xb0: {  	[dreg:$0x4] =	wrdreg $0x9  }
0xb1: {  	_ =	task.clear_ibuf [dreg:s7], $0x5FFFF;
	_ =	strace $0x90000046  }
0xb2: {  	s29 =	simm.s32 $0x9;
	_ =	strace $0x80000048  }
0xb3: {  	_ =	swait.ge [sflag:s29], $0x1  }
0xb4: {  	[sflag:s29] =	ssyncadd.s32 $0xFFFFFFFF  }
0xb5: {  	_ =	strace $0x90000048  }
0xb6: {  	_ =	sfence  }
0xb7: {  	s30 =	sld [smem:$0x0];
	_ =	sdelay $0x2  }
0xb8: {  	s31 =	sshll.u32 s1, $0xD;
	s1 =	sshrl.u32 s1, $0x2  }
0xb9: {  	s3 =	sand.u32 $0x4000, s31;
	s1 =	sadd.s32 s1, s30  }
0xba: {  	s0 =	sor.u32 s3, s0;
	s1 =	sshll.u32 s1, $0x11  }
0xbb: {  	s0 =	sor.u32 s1, s0  }
0xbc: {  	s0 =	sadd.s32 $0x8F2B, s0  }
0xbd: {  	[sflag:s0] =	ssyncadd.remote.s32 $0x1  }
0xbe: {  	_ =	sfence.sel $0xFFFF  }
0xbf: {  	[dreg:$0x0] =	wrdreg $0xFFFFFFFF;
	(pc) =	sbr.abs _section_cstart, $3  }
0xc0: {  	[dreg:$0x1] =	wrdreg $0xFFFFFFFF  }
0xc1: {  	_ =	task.clear_ibuf [dreg:s7], $0x2FFFF;
	_ =	strace $0x9FFFFFFF  }
0xc2: {  	(tm) =	ssettm $0x7FFFFFFF  }
0xc3: {  	_ =	shalt  }
tec
execute0_lowered:
.L_overlay_start_1:
0x0: {  	(tag) =	ssettag $0x1  }
0x1: {  	s3 =	rddreg [dreg:$0x0]  }
0x2: {  	s4 =	rddreg [dreg:$0x1]  }
0x3: {  	s0 =	rddreg [dreg:$0x2]  }
0x4: {  	s2 =	simm.s32 $0x0;
	s1 =	stileid.u32;
	s5 =	srdreg.scid  }
0x5: {  	s9 =	simm.s32 $0x4000;
	s10 =	simm.s32 $0x2;
	s11 =	simm.s32 $0x0  }
0x6: {  	[smem:$0x7FF] =	sst s2;
	s5 =	sand.u32 $0x1, s5;
	s6 =	sshll.u32 s1, $0x1  }
0x7: {  	s7 =	sshll.u32 s1, $0x7;
	_ =	strace $0x80000047;
	s6 =	sor.u32 s5, s6  }
0x8: {  	s7 =	sand.u32 $0x600, s7;
	s5 =	ssub.s32 $0x2, s5;
	s8 =	sshll.u32 s6, $0x4  }
0x9: {  	s4 =	sadd.s32 s7, s4;
	s31 =	sshrl.u32 s5, $0x1;
	s6 =	sshll.u32 s6, $0xD  }
0xa: {  	s7 =	simm.s32 $0x80;
	s8 =	sand.u32 $0x70, s8;
	s5 =	ssub.s32 s5, s31  }
0xb: {  	s3 =	sadd.s32 s3, s6;
	s6 =	simm.s32 $0x1;
	s4 =	sadd.s32 s8, s4  }
0xc: {  	s5 =	smax.u32 s5, $0x1;
	s8 =	simm.s32 $0x400;
	s4 =	sadd.s32 $0x400, s4  }
.LBB2_1:
0xd: {  	[tilespmem:s2], [sflag:$0x1] =	stream.linear.gather [hbm4b:s3+s2], $0x2000, $0x38;
	[tilespmem:$0x4200] =	vst v63  }
0xe: {  	_ =	swait.ge [sflag:s6], $0x2000  }
0xf: {  	s12 =	sand.u32 $0x70, s2;
	s13 =	sand.u32 $0xC00, s2;
	[sflag:s6] =	ssyncset.done $0x0  }
0x10: {  	s12 =	sor.u32 s12, s13;
	[sflag:s6] =	ssyncadd.s32 $0xFFFFE000  }
0x11: {  	v0 =	vld [tilespmem:s12+$0x80]  }
0x12: {  	v1 =	vld [tilespmem:s12+$0x0]  }
0x13: {  	v2 =	vld [tilespmem:s12+$0x100]  }
0x14: {  	v3 =	vld [tilespmem:s12+$0x180]  }
0x15: {  	v4 =	vld [tilespmem:s12+$0x200]  }
0x16: {  	v5 =	vld [tilespmem:s12+$0x280]  }
0x17: {  	v6 =	vld [tilespmem:s12+$0x300]  }
0x18: {  	v7 =	vld [tilespmem:s12+$0x380]  }
0x19: {  	v8 =	vld [tilespmem:s12+$0x1000]  }
0x1a: {  	v9 =	vld [tilespmem:s12+$0x1080]  }
0x1b: {  	v10 =	vld [tilespmem:s12+$0x1100]  }
0x1c: {  	v11 =	vld [tilespmem:s12+$0x1180]  }
0x1d: {  	v12 =	vld [tilespmem:s12+$0x1200]  }
0x1e: {  	v13 =	vld [tilespmem:s12+$0x1280]  }
0x1f: {  	v14 =	vld [tilespmem:s12+$0x1300]  }
0x20: {  	v15 =	vld [tilespmem:s12+$0x1380];
	_ =	sdelay $0x1  }
0x21: {  	v0 =	vadd.f32 v0, v1;
	v1 =	vadd.f32 v3, v2  }
0x22: {  	v2 =	vadd.f32 v5, v4;
	v3 =	vadd.f32 v7, v6  }
0x23: {  	v4 =	vadd.f32 v9, v8;
	v5 =	vadd.f32 v11, v10  }
0x24: {  	v6 =	vadd.f32 v13, v12;
	v7 =	vadd.f32 v15, v14  }
0x25: {  	v0 =	vadd.f32 v1, v0;
	v1 =	vadd.f32 v3, v2  }
0x26: {  	v2 =	vadd.f32 v5, v4;
	v3 =	vadd.f32 v7, v6;
	_ =	sdelay $0x1  }
0x27: {  	v0 =	vadd.f32 v1, v0;
	v1 =	vadd.f32 v3, v2;
	_ =	sdelay $0x1  }
0x28: {  	v0 =	vadd.f32 v1, v0;
	_ =	sdelay $0x1  }
0x29: {  	s31 =	simm.s32 $0x10;
	s12 =	simm.s32 $0x80;
	v0 =	vmul.f32 $6.250000000e-02, v0  }
0x2a: {  	s13 =	sand.u32 $0x70, s31;
	s14 =	sand.u32 $0xC00, s12  }
0x2b: {  	s15 =	sor.u32 s13, s14;
	[tilespmem:s9+$0x0] =	vst v0  }
0x2c: {  	v0 =	vld [tilespmem:s15+$0x80]  }
0x2d: {  	v1 =	vld [tilespmem:s15+$0x0]  }
0x2e: {  	v2 =	vld [tilespmem:s15+$0x100]  }
0x2f: {  	v3 =	vld [tilespmem:s15+$0x180]  }
0x30: {  	v4 =	vld [tilespmem:s15+$0x200]  }
0x31: {  	v5 =	vld [tilespmem:s15+$0x280]  }
0x32: {  	v6 =	vld [tilespmem:s15+$0x300]  }
0x33: {  	v7 =	vld [tilespmem:s15+$0x380]  }
0x34: {  	v8 =	vld [tilespmem:s15+$0x1000]  }
0x35: {  	v9 =	vld [tilespmem:s15+$0x1080]  }
0x36: {  	v10 =	vld [tilespmem:s15+$0x1100]  }
0x37: {  	v11 =	vld [tilespmem:s15+$0x1180]  }
0x38: {  	v12 =	vld [tilespmem:s15+$0x1200]  }
0x39: {  	s14 =	simm.s32 $0x20;
	s13 =	simm.s32 $0x4000;
	v13 =	vld [tilespmem:s15+$0x1280]  }
.LBB2_2:
0x3a: {  	p0 =	sne.s32 s14, $0x1F0;
	v14 =	vld [tilespmem:s15+$0x1300]  }
0x3b: {  	v15 =	vld [tilespmem:s15+$0x1380];
	_ =	sdelay $0x1  }
0x3c: {  	v0 =	vadd.f32 v0, v1;
	v1 =	vadd.f32 v3, v2  }
0x3d: {  	v2 =	vadd.f32 v5, v4;
	v3 =	vadd.f32 v7, v6  }
0x3e: {  	v4 =	vadd.f32 v9, v8;
	v5 =	vadd.f32 v11, v10  }
0x3f: {  	v6 =	vadd.f32 v13, v12;
	v7 =	vadd.f32 v15, v14  }
0x40: {  	v0 =	vadd.f32 v1, v0;
	v1 =	vadd.f32 v3, v2  }
0x41: {  	v2 =	vadd.f32 v5, v4;
	v3 =	vadd.f32 v7, v6;
	_ =	sdelay $0x1  }
0x42: {  	v0 =	vadd.f32 v1, v0;
	v1 =	vadd.f32 v3, v2;
	_ =	sdelay $0x1  }
0x43: {  	v0 =	vadd.f32 v1, v0;
	_ =	sdelay $0x1  }
0x44: {  	s12 =	sadd.s32 $0x80, s12;
	v0 =	vmul.f32 $6.250000000e-02, v0  }
0x45: {  	s13 =	sadd.s32 $0x10, s13;
	s15 =	sand.u32 $0x70, s14;
	s16 =	sand.u32 $0xC00, s12  }
0x46: {  	s15 =	sor.u32 s15, s16;
	[tilespmem:s13+$0x0] =	vst v0  }
0x47: {  	v0 =	vld [tilespmem:s15+$0x80]  }
0x48: {  	v1 =	vld [tilespmem:s15+$0x0]  }
0x49: {  	v2 =	vld [tilespmem:s15+$0x100]  }
0x4a: {  	v3 =	vld [tilespmem:s15+$0x180]  }
0x4b: {  	v4 =	vld [tilespmem:s15+$0x200]  }
0x4c: {  	v5 =	vld [tilespmem:s15+$0x280]  }
0x4d: {  	v6 =	vld [tilespmem:s15+$0x300]  }
0x4e: {  	v7 =	vld [tilespmem:s15+$0x380]  }
0x4f: {  	v8 =	vld [tilespmem:s15+$0x1000]  }
.Ltmp0:
0x50: {  	v9 =	vld [tilespmem:s15+$0x1080];
	(pc) =	sbr.rel @p0 .LBB2_2-.Ltmp0, $4  }
0x51: {  	v10 =	vld [tilespmem:s15+$0x1100]  }
0x52: {  	v11 =	vld [tilespmem:s15+$0x1180]  }
0x53: {  	v12 =	vld [tilespmem:s15+$0x1200]  }
0x54: {  	s14 =	sadd.s32 $0x10, s14;
	v13 =	vld [tilespmem:s15+$0x1280]  }
0x55: {  	v14 =	vld [tilespmem:s15+$0x1300]  }
0x56: {  	v15 =	vld [tilespmem:s15+$0x1380];
	_ =	sdelay $0x1  }
0x57: {  	v0 =	vadd.f32 v0, v1;
	v53 =	vadd.f32 v3, v2  }
0x58: {  	v54 =	vadd.f32 v5, v4;
	v55 =	vadd.f32 v7, v6  }
0x59: {  	v56 =	vadd.f32 v9, v8;
	v57 =	vadd.f32 v11, v10  }
0x5a: {  	v58 =	vadd.f32 v13, v12;
	v59 =	vadd.f32 v15, v14  }
0x5b: {  	v0 =	vadd.f32 v53, v0;
	v60 =	vadd.f32 v55, v54  }
0x5c: {  	v61 =	vadd.f32 v57, v56;
	v62 =	vadd.f32 v59, v58;
	_ =	sdelay $0x1  }
0x5d: {  	v0 =	vadd.f32 v60, v0;
	v63 =	vadd.f32 v62, v61;
	_ =	sdelay $0x1  }
0x5e: {  	v0 =	vadd.f32 v63, v0;
	_ =	sdelay $0x1  }
0x5f: {  	s11 =	sadd.s32 $0x1, s11;
	v0 =	vmul.f32 $6.250000000e-02, v0  }
0x60: {  	s12 =	sadd.s32 $0x10, s13;
	p0 =	sne.s32 s11, s5  }
.Ltmp1:
0x61: {  	[tilespmem:s12+$0x0] =	vst v0;
	(pc) =	sbr.rel @p0 .LBB2_1-.Ltmp1, $4  }
0x62: {  	[hbm4b:s4+s7] =	stream.strided.scatter [tilespmem:s9], [sflag:$0x2], $0x200, s8, s7, $0x38;
	[tilespmem:$0x4200] =	vst v63  }
0x63: {  	_ =	swait.ge [sflag:s10], $0x200  }
0x64: {  	[sflag:s10] =	ssyncset.done $0x0  }
0x65: {  	[sflag:s10] =	ssyncadd.s32 $0xFFFFFE00  }
0x66: {  	_ =	sfence.sel $0x180000  }
0x67: {  	[bflag:$0x0] =	sbarrier.arrive $0xFFFF  }
0x68: {  	p0 =	sne.s32 s1, $0x0;
	_ =	strace $0x90000047  }
0x69: {  	s0 =	sadd.s32 @!p0 $0x100000, s0;
	[bflag:$0x2] =	sbarrier.arrive $0xFFFF  }
0x6a: {  	[sflag:s0] =	ssyncadd.tile.s32 @!p0 $0x1;
	_ =	shalt  }
.Lfunc_end2:
_tile_overlayer_lowered:
.L_overlay_start_2:
0x6b: {  	(tag) =	ssettag $0x2  }
0x6c: {  	s0 =	rddreg [dreg:$0x0];
	s2 =	stileid.u32  }
0x6d: {  	s1 =	rddreg [dreg:$0x1];
	p0 =	sne.s32 s2, $0x0  }
0x6e: {  	s3 =	rddreg [dreg:$0x2];
	[bflag:$0x3] =	sbarrier.arrive $0xFFFF;
	s2 =	simm.s32 @!p0 $0x1C02  }
0x6f: {  	[timem:s3], [sflag:s2] =	dma.local @!p0 [hbm:s0], s1  }
0x70: {  	s0 =	simm.s32 @!p0 $0x2  }
0x71: {  	_ =	swait.ge @!p0 [sflag:s0], s1  }
0x72: {  	s1 =	ssub.s32 @!p0 $0x0, s1;
	[sflag:s0] =	ssyncset.done @!p0 $0x0  }
0x73: {  	[sflag:s0] =	ssyncadd.s32 @!p0 s1  }
0x74: {  	[bflag:$0x3] =	sbarrier.arrive $0xFFFF  }
0x75: {  	_ =	shalt  }

</sc_bundles>
